<compile_context>
chip_gen: v7x
topology: tpu7x:2x2x1
jax: 0.10.2.dev20260603
libtpu: 0.0.44.dev20260713+nightly
codegen_flags: <defaults>
</compile_context>

<pallas_src>
import jax
import jax.numpy as jnp
from jax import lax
from jax.experimental import pallas as pl
from jax.experimental.pallas import tpu as pltpu
from jax.experimental.pallas import tpu_sc as plsc

_N = 4096
_NC = 2
_NS = 16
_NW = _NC * _NS
_RPW = _N // _NW
_CHUNK = 8
_NCHUNK = _RPW // _CHUNK
_L = 16
_NBLK = _N // _L
_UNROLL = 8
_CW = _CHUNK * _N


def _dyn_gather(x, idx):
    dnums = lax.GatherDimensionNumbers(
        offset_dims=(), collapsed_slice_dims=(0,), start_index_map=(0,)
    )
    return lax.gather(
        x,
        idx.reshape(_L, 1),
        dnums,
        slice_sizes=(1,),
        mode=lax.GatherScatterMode.PROMISE_IN_BOUNDS,
    )


def _sc_body(adj_hbm, theta_hbm, out_hbm, buf0, buf1, theta_v,
             isem0, isem1, osem0, osem1):
    c = lax.axis_index("c")
    s = lax.axis_index("s")
    base = (s * _NC + c) * _RPW
    pltpu.sync_copy(theta_hbm.at[pl.ds(base, _RPW)], theta_v.at[pl.ds(0, _RPW)])
    iota = lax.iota(jnp.int32, _L)
    zero = jnp.zeros((_L,), jnp.float32)

    bufs = (buf0, buf1)
    isems = (isem0, isem1)
    osems = (osem0, osem1)

    def in_copy(ch, b):
        return pltpu.make_async_copy(
            adj_hbm.at[pl.ds(base + ch * _CHUNK, _CHUNK)], bufs[b], isems[b]
        )

    def out_copy(ch, b):
        return pltpu.make_async_copy(
            bufs[b], out_hbm.at[pl.ds(base + ch * _CHUNK, _CHUNK)], osems[b]
        )

    def compute_chunk(ch, b):
        buf = bufs[b]
        row0 = base + ch * _CHUNK
        tvec = theta_v[pl.ds(ch * _CHUNK, _L)]

        def sum_row(r, nbw_all):
            i = row0 + r

            @plsc.parallel_loop(0, _N, step=_L * _UNROLL, unroll=2,
                                carry=zero)
            def sum_body(col0, acc):
                ld = [buf[r, pl.ds(col0 + u * _L, _L)] for u in range(_UNROLL)]
                t = ((ld[0] + ld[1]) + (ld[2] + ld[3])) + (
                    (ld[4] + ld[5]) + (ld[6] + ld[7]))
                return acc + t

            acc = sum_body
            db16 = (i // _L) * _L
            lane_mask = iota == (i % _L)
            vdb = buf[r, pl.ds(db16, _L)]
            acc = acc - jnp.where(lane_mask, vdb, zero)
            for sh in (1, 2, 4, 8):
                acc = acc + _dyn_gather(acc, iota ^ sh)
            cnt = acc + jnp.float32(1e-10)
            th = _dyn_gather(tvec, jnp.full((_L,), r, jnp.int32))
            return jnp.where(iota == r, th / cnt, nbw_all)

        nbw_all = lax.fori_loop(0, _CHUNK, sum_row, zero)

        def scale_row(r, rcarry):
            nbw = _dyn_gather(nbw_all, jnp.full((_L,), r, jnp.int32))

            @plsc.parallel_loop(0, _N, step=_L * _UNROLL, unroll=2)
            def w_body(col0):
                for u in range(_UNROLL):
                    sl = pl.ds(col0 + u * _L, _L)
                    buf[r, sl] = buf[r, sl] * nbw

            i = row0 + r
            db16 = (i // _L) * _L
            lane_mask = iota == (i % _L)
            th = _dyn_gather(tvec, jnp.full((_L,), r, jnp.int32))
            vdb2 = buf[r, pl.ds(db16, _L)]
            buf[r, pl.ds(db16, _L)] = jnp.where(lane_mask, th, vdb2)
            return rcarry

        lax.fori_loop(0, _CHUNK, scale_row, 0)

    def chunk_body(ch, carry):
        pltpu.sync_copy(adj_hbm.at[pl.ds(base + ch * _CHUNK, _CHUNK)], buf0)
        compute_chunk(ch, 0)
        pltpu.sync_copy(buf0, out_hbm.at[pl.ds(base + ch * _CHUNK, _CHUNK)])
        return carry

    lax.fori_loop(0, _NCHUNK, chunk_body, 0)


def kernel(adj, theta):
    mesh = plsc.VectorSubcoreMesh(core_axis_name="c", subcore_axis_name="s")
    f = pl.kernel(
        _sc_body,
        out_type=jax.ShapeDtypeStruct((_N, _N), jnp.float32),
        mesh=mesh,
        scratch_types=[
            pltpu.VMEM((_CHUNK, _N), jnp.float32),
            pltpu.VMEM((_CHUNK, _N), jnp.float32),
            pltpu.VMEM((_RPW + _L,), jnp.float32),
            pltpu.SemaphoreType.DMA,
            pltpu.SemaphoreType.DMA,
            pltpu.SemaphoreType.DMA,
            pltpu.SemaphoreType.DMA,
        ],
    )
    return f(adj, theta.reshape(_N))

# --- scband reference (transcript-rebuilt; emitter-appended) ---
"""Pipeline reference for scband-nodewise-learnable-adj-weight-27994596835626 (READ-ONLY COPY).

The authoritative reference and input builder live on the scoring server;
editing this copy changes nothing except your own understanding.
"""

import jax, jax.numpy as jnp
import numpy as np

N = 4096
DENSITY = 0.01


def setup_inputs(seed: int = 0) -> dict:
    key = jax.random.key(seed)
    k1, k2 = jax.random.split(key)
    u = jax.random.uniform(k1, (N, N), dtype=jnp.float32)
    adj = (u < DENSITY).astype(jnp.float32)
    eye = jnp.eye(N, dtype=jnp.float32)
    adj = jnp.maximum(adj, eye)  # adjacency with self-loop, matching module contract
    theta = jnp.full((N, 1), 0.5, dtype=jnp.float32)  # nn.Parameter init
    return {"adj": adj, "theta": theta}


def reference(adj, theta):
    # Faithful translation of NodewiseLearnableAdjWeight.forward
    n = adj.shape[0]
    eye = jnp.eye(n, dtype=adj.dtype)
    is_self_loop = eye.astype(bool)
    neighbor_count = (adj - eye).sum(axis=1, keepdims=True) + 1e-10  # (N,1)
    neighbor_mask = adj.astype(bool) & (~is_self_loop)
    # torch: weights[is_self_loop] = theta.squeeze(); diagonal gets theta[i]
    # torch: neighbor_weights = (theta / neighbor_count).repeat(1, N); masked overwrite
    nb_w = theta / neighbor_count  # (N,1), broadcasts across columns like repeat(1, N)
    weights = jnp.where(is_self_loop, theta, jnp.where(neighbor_mask, nb_w, jnp.float32(0.0)))
    return weights

if __name__ == "__main__":
    import jax
    _d = setup_inputs()
    print(jax.jit(kernel)(*tuple(_d.values())))

</pallas_src>

<mosaic_0001>
#map = affine_map<(d0, d1) -> (0, 0)>
#map1 = affine_map<(d0, d1) -> (0)>
module attributes {stable_mosaic.version = 14 : i64} {
  func.func @_sc_body(%arg0: i32, %arg1: i32, %arg2: memref<4096x4096xf32, #tpu.memory_space<hbm>>, %arg3: memref<4096xf32, #tpu.memory_space<hbm>>, %arg4: memref<4096x4096xf32, #tpu.memory_space<hbm>>, %arg5: memref<8x4096xf32, #tpu.memory_space<vmem>>, %arg6: memref<8x4096xf32, #tpu.memory_space<vmem>>, %arg7: memref<144xf32, #tpu.memory_space<vmem>>, %arg8: memref<!tpu.dma_semaphore, #tpu.memory_space<semaphore_mem>>, %arg9: memref<!tpu.dma_semaphore, #tpu.memory_space<semaphore_mem>>, %arg10: memref<!tpu.dma_semaphore, #tpu.memory_space<semaphore_mem>>, %arg11: memref<!tpu.dma_semaphore, #tpu.memory_space<semaphore_mem>>) attributes {dimension_semantics = [#tpu.dimension_semantics<core_parallel>, #tpu.dimension_semantics<subcore_parallel>], iteration_bounds = array<i64: 2, 16>, scalar_prefetch = 0 : i64, scratch_operands = 7 : i64, tpu.core_type = #tpu.core_type<sc_vector_subcore>, window_params = [{transform_indices = #map}, {transform_indices = #map1}, {transform_indices = #map}]} {
    %mul3A = arith.constant 2 : i32
    %mul3A_0 = arith.muli %arg1, %mul3A : i32
    %add3A = arith.addi %mul3A_0, %arg0 : i32
    %mul3A_1 = arith.constant 128 : i32
    %mul3A_2 = arith.muli %add3A, %mul3A_1 : i32
    "tpu.region"() ({
      %run_scoped3A = tpu.sem_alloc : memref<!tpu.dma_semaphore, #tpu.memory_space<semaphore_mem>>
      %dma_start3A = arith.constant 0 : i32
      %dma_start3A_9 = tpu.memref_slice %arg7[%dma_start3A] : memref<144xf32, #tpu.memory_space<vmem>> -> memref<128xf32, #tpu.memory_space<vmem>>
      %dma_start3A_10 = tpu.memref_slice %arg3[%mul3A_2] : memref<4096xf32, #tpu.memory_space<hbm>> -> memref<128xf32, #tpu.memory_space<hbm>>
      %dma_start3A_11 = arith.constant 0 : i32
      %dma_start3A_12 = tpu.memref_slice %arg7[%dma_start3A_11] : memref<144xf32, #tpu.memory_space<vmem>> -> memref<128xf32, #tpu.memory_space<vmem>>
      %dma_start3A_13 = tpu.memref_slice %arg3[%mul3A_2] : memref<4096xf32, #tpu.memory_space<hbm>> -> memref<128xf32, #tpu.memory_space<hbm>>
      tpu.enqueue_dma source(%dma_start3A_13 : memref<128xf32, #tpu.memory_space<hbm>>) target(%dma_start3A_12 : memref<128xf32, #tpu.memory_space<vmem>>) target_semaphore(%run_scoped3A : memref<!tpu.dma_semaphore, #tpu.memory_space<semaphore_mem>>)
      %dma_wait3A = arith.constant 0 : i32
      %dma_wait3A_14 = tpu.memref_slice %arg7[%dma_wait3A] : memref<144xf32, #tpu.memory_space<vmem>> -> memref<128xf32, #tpu.memory_space<vmem>>
      %dma_wait3A_15 = tpu.memref_slice %arg3[%mul3A_2] : memref<4096xf32, #tpu.memory_space<hbm>> -> memref<128xf32, #tpu.memory_space<hbm>>
      %dma_wait3A_16 = arith.constant 0 : i32
      %dma_wait3A_17 = tpu.memref_slice %arg7[%dma_wait3A_16] : memref<144xf32, #tpu.memory_space<vmem>> -> memref<128xf32, #tpu.memory_space<vmem>>
      %dma_wait3A_18 = tpu.memref_slice %arg3[%mul3A_2] : memref<4096xf32, #tpu.memory_space<hbm>> -> memref<128xf32, #tpu.memory_space<hbm>>
      tpu.wait_dma2 semaphore(%run_scoped3A : memref<!tpu.dma_semaphore, #tpu.memory_space<semaphore_mem>>) src(%dma_wait3A_18 : memref<128xf32, #tpu.memory_space<hbm>>) dst(%dma_wait3A_17 : memref<128xf32, #tpu.memory_space<vmem>>)
      tpu.yield
    }) : () -> ()
    %iota3A = tpu.iota {dimensions = array<i32: 0>} : vector<16xi32>
    %broadcast_in_dim3A = arith.constant 0.000000e+00 : f32
    %broadcast_in_dim3A_3 = vector.broadcast %broadcast_in_dim3A : f32 to vector<16xf32>
    %scan3A = arith.constant 0 : i32
    %scan3A_4 = arith.constant 0 : i32
    %scan3A_5 = arith.constant 16 : i32
    %scan3A_6 = arith.addi %scan3A_4, %scan3A_5 : i32
    %scan3A_7 = arith.constant 1 : i32
    scf.for %scan3A_9 = %scan3A_4 to %scan3A_6 step %scan3A_7  : i32 {
      %mul3A_10 = arith.constant 8 : i32
      %mul3A_11 = arith.muli %scan3A_9, %mul3A_10 : i32
      %add3A_12 = arith.addi %mul3A_2, %mul3A_11 : i32
      "tpu.region"() ({
        %run_scoped3A = tpu.sem_alloc : memref<!tpu.dma_semaphore, #tpu.memory_space<semaphore_mem>>
        %dma_start3A = arith.constant 0 : i32
        %dma_start3A_35 = tpu.memref_slice %arg2[%add3A_12, %dma_start3A] : memref<4096x4096xf32, #tpu.memory_space<hbm>> -> memref<8x4096xf32, #tpu.memory_space<hbm>>
        %dma_start3A_36 = arith.constant 0 : i32
        %dma_start3A_37 = tpu.memref_slice %arg2[%add3A_12, %dma_start3A_36] : memref<4096x4096xf32, #tpu.memory_space<hbm>> -> memref<8x4096xf32, #tpu.memory_space<hbm>>
        tpu.enqueue_dma source(%dma_start3A_37 : memref<8x4096xf32, #tpu.memory_space<hbm>>) target(%arg5 : memref<8x4096xf32, #tpu.memory_space<vmem>>) target_semaphore(%run_scoped3A : memref<!tpu.dma_semaphore, #tpu.memory_space<semaphore_mem>>)
        %dma_wait3A = arith.constant 0 : i32
        %dma_wait3A_38 = tpu.memref_slice %arg2[%add3A_12, %dma_wait3A] : memref<4096x4096xf32, #tpu.memory_space<hbm>> -> memref<8x4096xf32, #tpu.memory_space<hbm>>
        %dma_wait3A_39 = arith.constant 0 : i32
        %dma_wait3A_40 = tpu.memref_slice %arg2[%add3A_12, %dma_wait3A_39] : memref<4096x4096xf32, #tpu.memory_space<hbm>> -> memref<8x4096xf32, #tpu.memory_space<hbm>>
        tpu.wait_dma2 semaphore(%run_scoped3A : memref<!tpu.dma_semaphore, #tpu.memory_space<semaphore_mem>>) src(%dma_wait3A_40 : memref<8x4096xf32, #tpu.memory_space<hbm>>) dst(%arg5 : memref<8x4096xf32, #tpu.memory_space<vmem>>)
        tpu.yield
      }) : () -> ()
      %mul3A_13 = arith.constant 8 : i32
      %mul3A_14 = arith.muli %scan3A_9, %mul3A_13 : i32
      %add3A_15 = arith.addi %mul3A_2, %mul3A_14 : i32
      %mul3A_16 = arith.constant 8 : i32
      %mul3A_17 = arith.muli %scan3A_9, %mul3A_16 : i32
      %get3A = arith.index_cast %mul3A_17 : i32 to index
      %get3A_18 = tpu.vector_load %arg7[%get3A] {strides = array<i32>} : memref<144xf32, #tpu.memory_space<vmem>>, vector<16xf32>,
      %get3A_19 = vector.shape_cast %get3A_18 : vector<16xf32> to vector<16xf32>
      %scan3A_20 = arith.constant 0 : i32
      %scan3A_21 = arith.constant 8 : i32
      %scan3A_22 = arith.addi %scan3A_20, %scan3A_21 : i32
      %scan3A_23 = arith.constant 1 : i32
      %scan3A_24 = scf.for %scan3A_35 = %scan3A_20 to %scan3A_22 step %scan3A_23 iter_args(%scan3A_36 = %broadcast_in_dim3A_3) -> (vector<16xf32>)  : i32 {
        %add3A_37 = arith.addi %add3A_15, %scan3A_35 : i32
        %parallel_loop3A = arith.constant 0 : i32
        %parallel_loop3A_38 = arith.constant 4096 : i32
        %parallel_loop3A_39 = arith.constant 128 : i32
        %parallel_loop3A_40 = scf.for %parallel_loop3A_117 = %parallel_loop3A to %parallel_loop3A_38 step %parallel_loop3A_39 iter_args(%parallel_loop3A_118 = %broadcast_in_dim3A_3) -> (vector<16xf32>)  : i32 {
          %parallel_loop3A_119 = arith.constant 0 : i32
          %parallel_loop3A_120 = arith.addi %parallel_loop3A_117, %parallel_loop3A_119 : i32
          %parallel_loop3A_121 = arith.index_cast %scan3A_35 : i32 to index
          %parallel_loop3A_122 = arith.index_cast %parallel_loop3A_120 : i32 to index
          %parallel_loop3A_123 = tpu.vector_load %arg5[%parallel_loop3A_121, %parallel_loop3A_122] {strides = array<i32>} : memref<8x4096xf32, #tpu.memory_space<vmem>>, vector<1x16xf32>,
          %parallel_loop3A_124 = vector.shape_cast %parallel_loop3A_123 : vector<1x16xf32> to vector<16xf32>
          %parallel_loop3A_125 = arith.constant 16 : i32
          %parallel_loop3A_126 = arith.addi %parallel_loop3A_117, %parallel_loop3A_125 : i32
          %parallel_loop3A_127 = arith.index_cast %scan3A_35 : i32 to index
          %parallel_loop3A_128 = arith.index_cast %parallel_loop3A_126 : i32 to index
          %parallel_loop3A_129 = tpu.vector_load %arg5[%parallel_loop3A_127, %parallel_loop3A_128] {strides = array<i32>} : memref<8x4096xf32, #tpu.memory_space<vmem>>, vector<1x16xf32>,
          %parallel_loop3A_130 = vector.shape_cast %parallel_loop3A_129 : vector<1x16xf32> to vector<16xf32>
          %parallel_loop3A_131 = arith.constant 32 : i32
          %parallel_loop3A_132 = arith.addi %parallel_loop3A_117, %parallel_loop3A_131 : i32
          %parallel_loop3A_133 = arith.index_cast %scan3A_35 : i32 to index
          %parallel_loop3A_134 = arith.index_cast %parallel_loop3A_132 : i32 to index
          %parallel_loop3A_135 = tpu.vector_load %arg5[%parallel_loop3A_133, %parallel_loop3A_134] {strides = array<i32>} : memref<8x4096xf32, #tpu.memory_space<vmem>>, vector<1x16xf32>,
          %parallel_loop3A_136 = vector.shape_cast %parallel_loop3A_135 : vector<1x16xf32> to vector<16xf32>
          %parallel_loop3A_137 = arith.constant 48 : i32
          %parallel_loop3A_138 = arith.addi %parallel_loop3A_117, %parallel_loop3A_137 : i32
          %parallel_loop3A_139 = arith.index_cast %scan3A_35 : i32 to index
          %parallel_loop3A_140 = arith.index_cast %parallel_loop3A_138 : i32 to index
          %parallel_loop3A_141 = tpu.vector_load %arg5[%parallel_loop3A_139, %parallel_loop3A_140] {strides = array<i32>} : memref<8x4096xf32, #tpu.memory_space<vmem>>, vector<1x16xf32>,
          %parallel_loop3A_142 = vector.shape_cast %parallel_loop3A_141 : vector<1x16xf32> to vector<16xf32>
          %parallel_loop3A_143 = arith.constant 64 : i32
          %parallel_loop3A_144 = arith.addi %parallel_loop3A_117, %parallel_loop3A_143 : i32
          %parallel_loop3A_145 = arith.index_cast %scan3A_35 : i32 to index
          %parallel_loop3A_146 = arith.index_cast %parallel_loop3A_144 : i32 to index
          %parallel_loop3A_147 = tpu.vector_load %arg5[%parallel_loop3A_145, %parallel_loop3A_146] {strides = array<i32>} : memref<8x4096xf32, #tpu.memory_space<vmem>>, vector<1x16xf32>,
          %parallel_loop3A_148 = vector.shape_cast %parallel_loop3A_147 : vector<1x16xf32> to vector<16xf32>
          %parallel_loop3A_149 = arith.constant 80 : i32
          %parallel_loop3A_150 = arith.addi %parallel_loop3A_117, %parallel_loop3A_149 : i32
          %parallel_loop3A_151 = arith.index_cast %scan3A_35 : i32 to index
          %parallel_loop3A_152 = arith.index_cast %parallel_loop3A_150 : i32 to index
          %parallel_loop3A_153 = tpu.vector_load %arg5[%parallel_loop3A_151, %parallel_loop3A_152] {strides = array<i32>} : memref<8x4096xf32, #tpu.memory_space<vmem>>, vector<1x16xf32>,
          %parallel_loop3A_154 = vector.shape_cast %parallel_loop3A_153 : vector<1x16xf32> to vector<16xf32>
          %parallel_loop3A_155 = arith.constant 96 : i32
          %parallel_loop3A_156 = arith.addi %parallel_loop3A_117, %parallel_loop3A_155 : i32
          %parallel_loop3A_157 = arith.index_cast %scan3A_35 : i32 to index
          %parallel_loop3A_158 = arith.index_cast %parallel_loop3A_156 : i32 to index
          %parallel_loop3A_159 = tpu.vector_load %arg5[%parallel_loop3A_157, %parallel_loop3A_158] {strides = array<i32>} : memref<8x4096xf32, #tpu.memory_space<vmem>>, vector<1x16xf32>,
          %parallel_loop3A_160 = vector.shape_cast %parallel_loop3A_159 : vector<1x16xf32> to vector<16xf32>
          %parallel_loop3A_161 = arith.constant 112 : i32
          %parallel_loop3A_162 = arith.addi %parallel_loop3A_117, %parallel_loop3A_161 : i32
          %parallel_loop3A_163 = arith.index_cast %scan3A_35 : i32 to index
          %parallel_loop3A_164 = arith.index_cast %parallel_loop3A_162 : i32 to index
          %parallel_loop3A_165 = tpu.vector_load %arg5[%parallel_loop3A_163, %parallel_loop3A_164] {strides = array<i32>} : memref<8x4096xf32, #tpu.memory_space<vmem>>, vector<1x16xf32>,
          %parallel_loop3A_166 = vector.shape_cast %parallel_loop3A_165 : vector<1x16xf32> to vector<16xf32>
          %parallel_loop3A_167 = arith.addf %parallel_loop3A_124, %parallel_loop3A_130 : vector<16xf32>
          %parallel_loop3A_168 = arith.addf %parallel_loop3A_136, %parallel_loop3A_142 : vector<16xf32>
          %parallel_loop3A_169 = arith.addf %parallel_loop3A_167, %parallel_loop3A_168 : vector<16xf32>
          %parallel_loop3A_170 = arith.addf %parallel_loop3A_148, %parallel_loop3A_154 : vector<16xf32>
          %parallel_loop3A_171 = arith.addf %parallel_loop3A_160, %parallel_loop3A_166 : vector<16xf32>
          %parallel_loop3A_172 = arith.addf %parallel_loop3A_170, %parallel_loop3A_171 : vector<16xf32>
          %parallel_loop3A_173 = arith.addf %parallel_loop3A_169, %parallel_loop3A_172 : vector<16xf32>
          %parallel_loop3A_174 = arith.addf %parallel_loop3A_118, %parallel_loop3A_173 : vector<16xf32>
          scf.yield %parallel_loop3A_174 : vector<16xf32>
        } {sc.loop_unroll_factor = 2 : i64, sc.parallel_access}
        %jit3A = arith.constant 16 : i32
        %div3A = arith.divsi %add3A_37, %jit3A : i32
        %sign3A = arith.constant 0 : i32
        %sign3A_41 = arith.cmpi sgt, %add3A_37, %sign3A : i32
        %sign3A_42 = arith.extui %sign3A_41 : i1 to i32
        %sign3A_43 = arith.constant 0 : i32
        %sign3A_44 = arith.cmpi slt, %add3A_37, %sign3A_43 : i32
        %sign3A_45 = arith.extui %sign3A_44 : i1 to i32
        %sign3A_46 = arith.subi %sign3A_42, %sign3A_45 : i32
        %sign3A_47 = arith.constant 0 : i32
        %sign3A_48 = arith.cmpi sgt, %jit3A, %sign3A_47 : i32
        %sign3A_49 = arith.extui %sign3A_48 : i1 to i32
        %sign3A_50 = arith.constant 0 : i32
        %sign3A_51 = arith.cmpi slt, %jit3A, %sign3A_50 : i32
        %sign3A_52 = arith.extui %sign3A_51 : i1 to i32
        %sign3A_53 = arith.subi %sign3A_49, %sign3A_52 : i32
        %ne3A = arith.cmpi ne, %sign3A_46, %sign3A_53 : i32
        %rem3A = arith.remsi %add3A_37, %jit3A : i32
        %ne3A_54 = arith.constant 0 : i32
        %ne3A_55 = arith.cmpi ne, %rem3A, %ne3A_54 : i32
        %and3A = arith.andi %ne3A, %ne3A_55 : i1
        %sub3A = arith.constant 1 : i32
        %sub3A_56 = arith.subi %div3A, %sub3A : i32
        %select_n3A = arith.select %and3A, %sub3A_56, %div3A : i32
        %mul3A_57 = arith.constant 16 : i32
        %mul3A_58 = arith.muli %select_n3A, %mul3A_57 : i32
        %jit3A_59 = arith.constant 16 : i32
        %eq3A = arith.constant 0 : i32
        %eq3A_60 = arith.cmpi eq, %jit3A_59, %eq3A : i32
        %jit3A_61 = arith.constant 1 : i32
        %select_n3A_62 = arith.select %eq3A_60, %jit3A_61, %jit3A_59 : i32
        %rem3A_63 = arith.remsi %add3A_37, %select_n3A_62 : i32
        %ne3A_64 = arith.constant 0 : i32
        %ne3A_65 = arith.cmpi ne, %rem3A_63, %ne3A_64 : i32
        %lt3A = arith.constant 0 : i32
        %lt3A_66 = arith.cmpi slt, %rem3A_63, %lt3A : i32
        %lt3A_67 = arith.constant 0 : i32
        %lt3A_68 = arith.cmpi slt, %select_n3A_62, %lt3A_67 : i32
        %ne3A_69 = arith.xori %lt3A_66, %lt3A_68 : i1
        %and3A_70 = arith.andi %ne3A_69, %ne3A_65 : i1
        %add3A_71 = arith.addi %rem3A_63, %select_n3A_62 : i32
        %select_n3A_72 = arith.select %and3A_70, %add3A_71, %rem3A_63 : i32
        %eq3A_73 = vector.broadcast %select_n3A_72 : i32 to vector<16xi32>
        %eq3A_74 = arith.cmpi eq, %iota3A, %eq3A_73 : vector<16xi32>
        %get3A_75 = arith.index_cast %scan3A_35 : i32 to index
        %get3A_76 = arith.index_cast %mul3A_58 : i32 to index
        %get3A_77 = tpu.vector_load %arg5[%get3A_75, %get3A_76] {strides = array<i32>} : memref<8x4096xf32, #tpu.memory_space<vmem>>, vector<1x16xf32>,
        %get3A_78 = vector.shape_cast %get3A_77 : vector<1x16xf32> to vector<16xf32>
        %select_n3A_79 = arith.select %eq3A_74, %get3A_78, %broadcast_in_dim3A_3 : vector<16xi1>, vector<16xf32>
        %sub3A_80 = arith.subf %parallel_loop3A_40, %select_n3A_79 : vector<16xf32>
        %xor3A = arith.constant 1 : i32
        %xor3A_81 = vector.broadcast %xor3A : i32 to vector<16xi32>
        %xor3A_82 = arith.xori %iota3A, %xor3A_81 : vector<16xi32>
        %reshape3A = vector.shape_cast %xor3A_82 : vector<16xi32> to vector<16x1xi32>
        %gather3A = vector.shape_cast %reshape3A : vector<16x1xi32> to vector<16xi32>
        %gather3A_83 = tpu.dynamic_gather %sub3A_80[%gather3A] in [0] : vector<16xf32>, vector<16xi32> -> vector<16xf32>
        %add3A_84 = arith.addf %sub3A_80, %gather3A_83 : vector<16xf32>
        %xor3A_85 = arith.constant 2 : i32
        %xor3A_86 = vector.broadcast %xor3A_85 : i32 to vector<16xi32>
        %xor3A_87 = arith.xori %iota3A, %xor3A_86 : vector<16xi32>
        %reshape3A_88 = vector.shape_cast %xor3A_87 : vector<16xi32> to vector<16x1xi32>
        %gather3A_89 = vector.shape_cast %reshape3A_88 : vector<16x1xi32> to vector<16xi32>
        %gather3A_90 = tpu.dynamic_gather %add3A_84[%gather3A_89] in [0] : vector<16xf32>, vector<16xi32> -> vector<16xf32>
        %add3A_91 = arith.addf %add3A_84, %gather3A_90 : vector<16xf32>
        %xor3A_92 = arith.constant 4 : i32
        %xor3A_93 = vector.broadcast %xor3A_92 : i32 to vector<16xi32>
        %xor3A_94 = arith.xori %iota3A, %xor3A_93 : vector<16xi32>
        %reshape3A_95 = vector.shape_cast %xor3A_94 : vector<16xi32> to vector<16x1xi32>
        %gather3A_96 = vector.shape_cast %reshape3A_95 : vector<16x1xi32> to vector<16xi32>
        %gather3A_97 = tpu.dynamic_gather %add3A_91[%gather3A_96] in [0] : vector<16xf32>, vector<16xi32> -> vector<16xf32>
        %add3A_98 = arith.addf %add3A_91, %gather3A_97 : vector<16xf32>
        %xor3A_99 = arith.constant 8 : i32
        %xor3A_100 = vector.broadcast %xor3A_99 : i32 to vector<16xi32>
        %xor3A_101 = arith.xori %iota3A, %xor3A_100 : vector<16xi32>
        %reshape3A_102 = vector.shape_cast %xor3A_101 : vector<16xi32> to vector<16x1xi32>
        %gather3A_103 = vector.shape_cast %reshape3A_102 : vector<16x1xi32> to vector<16xi32>
        %gather3A_104 = tpu.dynamic_gather %add3A_98[%gather3A_103] in [0] : vector<16xf32>, vector<16xi32> -> vector<16xf32>
        %add3A_105 = arith.addf %add3A_98, %gather3A_104 : vector<16xf32>
        %add3A_106 = arith.constant 1.000000e-10 : f32
        %add3A_107 = vector.broadcast %add3A_106 : f32 to vector<16xf32>
        %add3A_108 = arith.addf %add3A_105, %add3A_107 : vector<16xf32>
        %broadcast_in_dim3A_109 = vector.broadcast %scan3A_35 : i32 to vector<16xi32>
        %reshape3A_110 = vector.shape_cast %broadcast_in_dim3A_109 : vector<16xi32> to vector<16x1xi32>
        %gather3A_111 = vector.shape_cast %reshape3A_110 : vector<16x1xi32> to vector<16xi32>
        %gather3A_112 = tpu.dynamic_gather %get3A_19[%gather3A_111] in [0] : vector<16xf32>, vector<16xi32> -> vector<16xf32>
        %eq3A_113 = vector.broadcast %scan3A_35 : i32 to vector<16xi32>
        %eq3A_114 = arith.cmpi eq, %iota3A, %eq3A_113 : vector<16xi32>
        %div3A_115 = arith.divf %gather3A_112, %add3A_108 : vector<16xf32>
        %select_n3A_116 = arith.select %eq3A_114, %div3A_115, %scan3A_36 : vector<16xi1>, vector<16xf32>
        scf.yield %select_n3A_116 : vector<16xf32>
      }
      %scan3A_25 = arith.constant 8 : i32
      %scan3A_26 = arith.constant 0 : i32
      %scan3A_27 = arith.constant 0 : i32
      %scan3A_28 = arith.constant 8 : i32
      %scan3A_29 = arith.addi %scan3A_27, %scan3A_28 : i32
      %scan3A_30 = arith.constant 1 : i32
      scf.for %scan3A_35 = %scan3A_27 to %scan3A_29 step %scan3A_30  : i32 {
        %broadcast_in_dim3A_36 = vector.broadcast %scan3A_35 : i32 to vector<16xi32>
        %reshape3A = vector.shape_cast %broadcast_in_dim3A_36 : vector<16xi32> to vector<16x1xi32>
        %gather3A = vector.shape_cast %reshape3A : vector<16x1xi32> to vector<16xi32>
        %gather3A_37 = tpu.dynamic_gather %scan3A_24[%gather3A] in [0] : vector<16xf32>, vector<16xi32> -> vector<16xf32>
        %parallel_loop3A = arith.constant 0 : i32
        %parallel_loop3A_38 = arith.constant 4096 : i32
        %parallel_loop3A_39 = arith.constant 128 : i32
        scf.for %parallel_loop3A_88 = %parallel_loop3A to %parallel_loop3A_38 step %parallel_loop3A_39  : i32 {
          %parallel_loop3A_89 = arith.constant 0 : i32
          %parallel_loop3A_90 = arith.addi %parallel_loop3A_88, %parallel_loop3A_89 : i32
          %parallel_loop3A_91 = arith.index_cast %scan3A_35 : i32 to index
          %parallel_loop3A_92 = arith.index_cast %parallel_loop3A_90 : i32 to index
          %parallel_loop3A_93 = tpu.vector_load %arg5[%parallel_loop3A_91, %parallel_loop3A_92] {strides = array<i32>} : memref<8x4096xf32, #tpu.memory_space<vmem>>, vector<1x16xf32>,
          %parallel_loop3A_94 = vector.shape_cast %parallel_loop3A_93 : vector<1x16xf32> to vector<16xf32>
          %parallel_loop3A_95 = arith.mulf %parallel_loop3A_94, %gather3A_37 : vector<16xf32>
          %parallel_loop3A_96 = arith.index_cast %scan3A_35 : i32 to index
          %parallel_loop3A_97 = arith.index_cast %parallel_loop3A_90 : i32 to index
          %parallel_loop3A_98 = tpu.vector_load %arg5[%parallel_loop3A_96, %parallel_loop3A_97] {strides = array<i32>} : memref<8x4096xf32, #tpu.memory_space<vmem>>, vector<1x16xf32>,
          %parallel_loop3A_99 = vector.shape_cast %parallel_loop3A_98 : vector<1x16xf32> to vector<16xf32>
          %parallel_loop3A_100 = vector.shape_cast %parallel_loop3A_95 : vector<16xf32> to vector<1x16xf32>
          tpu.vector_store %arg5[%parallel_loop3A_96, %parallel_loop3A_97], %parallel_loop3A_100 {strides = array<i32>} : memref<8x4096xf32, #tpu.memory_space<vmem>>, vector<1x16xf32>,
          %parallel_loop3A_101 = arith.constant 16 : i32
          %parallel_loop3A_102 = arith.addi %parallel_loop3A_88, %parallel_loop3A_101 : i32
          %parallel_loop3A_103 = arith.index_cast %scan3A_35 : i32 to index
          %parallel_loop3A_104 = arith.index_cast %parallel_loop3A_102 : i32 to index
          %parallel_loop3A_105 = tpu.vector_load %arg5[%parallel_loop3A_103, %parallel_loop3A_104] {strides = array<i32>} : memref<8x4096xf32, #tpu.memory_space<vmem>>, vector<1x16xf32>,
          %parallel_loop3A_106 = vector.shape_cast %parallel_loop3A_105 : vector<1x16xf32> to vector<16xf32>
          %parallel_loop3A_107 = arith.mulf %parallel_loop3A_106, %gather3A_37 : vector<16xf32>
          %parallel_loop3A_108 = arith.index_cast %scan3A_35 : i32 to index
          %parallel_loop3A_109 = arith.index_cast %parallel_loop3A_102 : i32 to index
          %parallel_loop3A_110 = tpu.vector_load %arg5[%parallel_loop3A_108, %parallel_loop3A_109] {strides = array<i32>} : memref<8x4096xf32, #tpu.memory_space<vmem>>, vector<1x16xf32>,
          %parallel_loop3A_111 = vector.shape_cast %parallel_loop3A_110 : vector<1x16xf32> to vector<16xf32>
          %parallel_loop3A_112 = vector.shape_cast %parallel_loop3A_107 : vector<16xf32> to vector<1x16xf32>
          tpu.vector_store %arg5[%parallel_loop3A_108, %parallel_loop3A_109], %parallel_loop3A_112 {strides = array<i32>} : memref<8x4096xf32, #tpu.memory_space<vmem>>, vector<1x16xf32>,
          %parallel_loop3A_113 = arith.constant 32 : i32
          %parallel_loop3A_114 = arith.addi %parallel_loop3A_88, %parallel_loop3A_113 : i32
          %parallel_loop3A_115 = arith.index_cast %scan3A_35 : i32 to index
          %parallel_loop3A_116 = arith.index_cast %parallel_loop3A_114 : i32 to index
          %parallel_loop3A_117 = tpu.vector_load %arg5[%parallel_loop3A_115, %parallel_loop3A_116] {strides = array<i32>} : memref<8x4096xf32, #tpu.memory_space<vmem>>, vector<1x16xf32>,
          %parallel_loop3A_118 = vector.shape_cast %parallel_loop3A_117 : vector<1x16xf32> to vector<16xf32>
          %parallel_loop3A_119 = arith.mulf %parallel_loop3A_118, %gather3A_37 : vector<16xf32>
          %parallel_loop3A_120 = arith.index_cast %scan3A_35 : i32 to index
          %parallel_loop3A_121 = arith.index_cast %parallel_loop3A_114 : i32 to index
          %parallel_loop3A_122 = tpu.vector_load %arg5[%parallel_loop3A_120, %parallel_loop3A_121] {strides = array<i32>} : memref<8x4096xf32, #tpu.memory_space<vmem>>, vector<1x16xf32>,
          %parallel_loop3A_123 = vector.shape_cast %parallel_loop3A_122 : vector<1x16xf32> to vector<16xf32>
          %parallel_loop3A_124 = vector.shape_cast %parallel_loop3A_119 : vector<16xf32> to vector<1x16xf32>
          tpu.vector_store %arg5[%parallel_loop3A_120, %parallel_loop3A_121], %parallel_loop3A_124 {strides = array<i32>} : memref<8x4096xf32, #tpu.memory_space<vmem>>, vector<1x16xf32>,
          %parallel_loop3A_125 = arith.constant 48 : i32
          %parallel_loop3A_126 = arith.addi %parallel_loop3A_88, %parallel_loop3A_125 : i32
          %parallel_loop3A_127 = arith.index_cast %scan3A_35 : i32 to index
          %parallel_loop3A_128 = arith.index_cast %parallel_loop3A_126 : i32 to index
          %parallel_loop3A_129 = tpu.vector_load %arg5[%parallel_loop3A_127, %parallel_loop3A_128] {strides = array<i32>} : memref<8x4096xf32, #tpu.memory_space<vmem>>, vector<1x16xf32>,
          %parallel_loop3A_130 = vector.shape_cast %parallel_loop3A_129 : vector<1x16xf32> to vector<16xf32>
          %parallel_loop3A_131 = arith.mulf %parallel_loop3A_130, %gather3A_37 : vector<16xf32>
          %parallel_loop3A_132 = arith.index_cast %scan3A_35 : i32 to index
          %parallel_loop3A_133 = arith.index_cast %parallel_loop3A_126 : i32 to index
          %parallel_loop3A_134 = tpu.vector_load %arg5[%parallel_loop3A_132, %parallel_loop3A_133] {strides = array<i32>} : memref<8x4096xf32, #tpu.memory_space<vmem>>, vector<1x16xf32>,
          %parallel_loop3A_135 = vector.shape_cast %parallel_loop3A_134 : vector<1x16xf32> to vector<16xf32>
          %parallel_loop3A_136 = vector.shape_cast %parallel_loop3A_131 : vector<16xf32> to vector<1x16xf32>
          tpu.vector_store %arg5[%parallel_loop3A_132, %parallel_loop3A_133], %parallel_loop3A_136 {strides = array<i32>} : memref<8x4096xf32, #tpu.memory_space<vmem>>, vector<1x16xf32>,
          %parallel_loop3A_137 = arith.constant 64 : i32
          %parallel_loop3A_138 = arith.addi %parallel_loop3A_88, %parallel_loop3A_137 : i32
          %parallel_loop3A_139 = arith.index_cast %scan3A_35 : i32 to index
          %parallel_loop3A_140 = arith.index_cast %parallel_loop3A_138 : i32 to index
          %parallel_loop3A_141 = tpu.vector_load %arg5[%parallel_loop3A_139, %parallel_loop3A_140] {strides = array<i32>} : memref<8x4096xf32, #tpu.memory_space<vmem>>, vector<1x16xf32>,
          %parallel_loop3A_142 = vector.shape_cast %parallel_loop3A_141 : vector<1x16xf32> to vector<16xf32>
          %parallel_loop3A_143 = arith.mulf %parallel_loop3A_142, %gather3A_37 : vector<16xf32>
          %parallel_loop3A_144 = arith.index_cast %scan3A_35 : i32 to index
          %parallel_loop3A_145 = arith.index_cast %parallel_loop3A_138 : i32 to index
          %parallel_loop3A_146 = tpu.vector_load %arg5[%parallel_loop3A_144, %parallel_loop3A_145] {strides = array<i32>} : memref<8x4096xf32, #tpu.memory_space<vmem>>, vector<1x16xf32>,
          %parallel_loop3A_147 = vector.shape_cast %parallel_loop3A_146 : vector<1x16xf32> to vector<16xf32>
          %parallel_loop3A_148 = vector.shape_cast %parallel_loop3A_143 : vector<16xf32> to vector<1x16xf32>
          tpu.vector_store %arg5[%parallel_loop3A_144, %parallel_loop3A_145], %parallel_loop3A_148 {strides = array<i32>} : memref<8x4096xf32, #tpu.memory_space<vmem>>, vector<1x16xf32>,
          %parallel_loop3A_149 = arith.constant 80 : i32
          %parallel_loop3A_150 = arith.addi %parallel_loop3A_88, %parallel_loop3A_149 : i32
          %parallel_loop3A_151 = arith.index_cast %scan3A_35 : i32 to index
          %parallel_loop3A_152 = arith.index_cast %parallel_loop3A_150 : i32 to index
          %parallel_loop3A_153 = tpu.vector_load %arg5[%parallel_loop3A_151, %parallel_loop3A_152] {strides = array<i32>} : memref<8x4096xf32, #tpu.memory_space<vmem>>, vector<1x16xf32>,
          %parallel_loop3A_154 = vector.shape_cast %parallel_loop3A_153 : vector<1x16xf32> to vector<16xf32>
          %parallel_loop3A_155 = arith.mulf %parallel_loop3A_154, %gather3A_37 : vector<16xf32>
          %parallel_loop3A_156 = arith.index_cast %scan3A_35 : i32 to index
          %parallel_loop3A_157 = arith.index_cast %parallel_loop3A_150 : i32 to index
          %parallel_loop3A_158 = tpu.vector_load %arg5[%parallel_loop3A_156, %parallel_loop3A_157] {strides = array<i32>} : memref<8x4096xf32, #tpu.memory_space<vmem>>, vector<1x16xf32>,
          %parallel_loop3A_159 = vector.shape_cast %parallel_loop3A_158 : vector<1x16xf32> to vector<16xf32>
          %parallel_loop3A_160 = vector.shape_cast %parallel_loop3A_155 : vector<16xf32> to vector<1x16xf32>
          tpu.vector_store %arg5[%parallel_loop3A_156, %parallel_loop3A_157], %parallel_loop3A_160 {strides = array<i32>} : memref<8x4096xf32, #tpu.memory_space<vmem>>, vector<1x16xf32>,
          %parallel_loop3A_161 = arith.constant 96 : i32
          %parallel_loop3A_162 = arith.addi %parallel_loop3A_88, %parallel_loop3A_161 : i32
          %parallel_loop3A_163 = arith.index_cast %scan3A_35 : i32 to index
          %parallel_loop3A_164 = arith.index_cast %parallel_loop3A_162 : i32 to index
          %parallel_loop3A_165 = tpu.vector_load %arg5[%parallel_loop3A_163, %parallel_loop3A_164] {strides = array<i32>} : memref<8x4096xf32, #tpu.memory_space<vmem>>, vector<1x16xf32>,
          %parallel_loop3A_166 = vector.shape_cast %parallel_loop3A_165 : vector<1x16xf32> to vector<16xf32>
          %parallel_loop3A_167 = arith.mulf %parallel_loop3A_166, %gather3A_37 : vector<16xf32>
          %parallel_loop3A_168 = arith.index_cast %scan3A_35 : i32 to index
          %parallel_loop3A_169 = arith.index_cast %parallel_loop3A_162 : i32 to index
          %parallel_loop3A_170 = tpu.vector_load %arg5[%parallel_loop3A_168, %parallel_loop3A_169] {strides = array<i32>} : memref<8x4096xf32, #tpu.memory_space<vmem>>, vector<1x16xf32>,
          %parallel_loop3A_171 = vector.shape_cast %parallel_loop3A_170 : vector<1x16xf32> to vector<16xf32>
          %parallel_loop3A_172 = vector.shape_cast %parallel_loop3A_167 : vector<16xf32> to vector<1x16xf32>
          tpu.vector_store %arg5[%parallel_loop3A_168, %parallel_loop3A_169], %parallel_loop3A_172 {strides = array<i32>} : memref<8x4096xf32, #tpu.memory_space<vmem>>, vector<1x16xf32>,
          %parallel_loop3A_173 = arith.constant 112 : i32
          %parallel_loop3A_174 = arith.addi %parallel_loop3A_88, %parallel_loop3A_173 : i32
          %parallel_loop3A_175 = arith.index_cast %scan3A_35 : i32 to index
          %parallel_loop3A_176 = arith.index_cast %parallel_loop3A_174 : i32 to index
          %parallel_loop3A_177 = tpu.vector_load %arg5[%parallel_loop3A_175, %parallel_loop3A_176] {strides = array<i32>} : memref<8x4096xf32, #tpu.memory_space<vmem>>, vector<1x16xf32>,
          %parallel_loop3A_178 = vector.shape_cast %parallel_loop3A_177 : vector<1x16xf32> to vector<16xf32>
          %parallel_loop3A_179 = arith.mulf %parallel_loop3A_178, %gather3A_37 : vector<16xf32>
          %parallel_loop3A_180 = arith.index_cast %scan3A_35 : i32 to index
          %parallel_loop3A_181 = arith.index_cast %parallel_loop3A_174 : i32 to index
          %parallel_loop3A_182 = tpu.vector_load %arg5[%parallel_loop3A_180, %parallel_loop3A_181] {strides = array<i32>} : memref<8x4096xf32, #tpu.memory_space<vmem>>, vector<1x16xf32>,
          %parallel_loop3A_183 = vector.shape_cast %parallel_loop3A_182 : vector<1x16xf32> to vector<16xf32>
          %parallel_loop3A_184 = vector.shape_cast %parallel_loop3A_179 : vector<16xf32> to vector<1x16xf32>
          tpu.vector_store %arg5[%parallel_loop3A_180, %parallel_loop3A_181], %parallel_loop3A_184 {strides = array<i32>} : memref<8x4096xf32, #tpu.memory_space<vmem>>, vector<1x16xf32>,
        } {sc.loop_unroll_factor = 2 : i64, sc.parallel_access}
        %add3A_40 = arith.addi %add3A_15, %scan3A_35 : i32
        %jit3A = arith.constant 16 : i32
        %div3A = arith.divsi %add3A_40, %jit3A : i32
        %sign3A = arith.constant 0 : i32
        %sign3A_41 = arith.cmpi sgt, %add3A_40, %sign3A : i32
        %sign3A_42 = arith.extui %sign3A_41 : i1 to i32
        %sign3A_43 = arith.constant 0 : i32
        %sign3A_44 = arith.cmpi slt, %add3A_40, %sign3A_43 : i32
        %sign3A_45 = arith.extui %sign3A_44 : i1 to i32
        %sign3A_46 = arith.subi %sign3A_42, %sign3A_45 : i32
        %sign3A_47 = arith.constant 0 : i32
        %sign3A_48 = arith.cmpi sgt, %jit3A, %sign3A_47 : i32
        %sign3A_49 = arith.extui %sign3A_48 : i1 to i32
        %sign3A_50 = arith.constant 0 : i32
        %sign3A_51 = arith.cmpi slt, %jit3A, %sign3A_50 : i32
        %sign3A_52 = arith.extui %sign3A_51 : i1 to i32
        %sign3A_53 = arith.subi %sign3A_49, %sign3A_52 : i32
        %ne3A = arith.cmpi ne, %sign3A_46, %sign3A_53 : i32
        %rem3A = arith.remsi %add3A_40, %jit3A : i32
        %ne3A_54 = arith.constant 0 : i32
        %ne3A_55 = arith.cmpi ne, %rem3A, %ne3A_54 : i32
        %and3A = arith.andi %ne3A, %ne3A_55 : i1
        %sub3A = arith.constant 1 : i32
        %sub3A_56 = arith.subi %div3A, %sub3A : i32
        %select_n3A = arith.select %and3A, %sub3A_56, %div3A : i32
        %mul3A_57 = arith.constant 16 : i32
        %mul3A_58 = arith.muli %select_n3A, %mul3A_57 : i32
        %jit3A_59 = arith.constant 16 : i32
        %eq3A = arith.constant 0 : i32
        %eq3A_60 = arith.cmpi eq, %jit3A_59, %eq3A : i32
        %jit3A_61 = arith.constant 1 : i32
        %select_n3A_62 = arith.select %eq3A_60, %jit3A_61, %jit3A_59 : i32
        %rem3A_63 = arith.remsi %add3A_40, %select_n3A_62 : i32
        %ne3A_64 = arith.constant 0 : i32
        %ne3A_65 = arith.cmpi ne, %rem3A_63, %ne3A_64 : i32
        %lt3A = arith.constant 0 : i32
        %lt3A_66 = arith.cmpi slt, %rem3A_63, %lt3A : i32
        %lt3A_67 = arith.constant 0 : i32
        %lt3A_68 = arith.cmpi slt, %select_n3A_62, %lt3A_67 : i32
        %ne3A_69 = arith.xori %lt3A_66, %lt3A_68 : i1
        %and3A_70 = arith.andi %ne3A_69, %ne3A_65 : i1
        %add3A_71 = arith.addi %rem3A_63, %select_n3A_62 : i32
        %select_n3A_72 = arith.select %and3A_70, %add3A_71, %rem3A_63 : i32
        %eq3A_73 = vector.broadcast %select_n3A_72 : i32 to vector<16xi32>
        %eq3A_74 = arith.cmpi eq, %iota3A, %eq3A_73 : vector<16xi32>
        %broadcast_in_dim3A_75 = vector.broadcast %scan3A_35 : i32 to vector<16xi32>
        %reshape3A_76 = vector.shape_cast %broadcast_in_dim3A_75 : vector<16xi32> to vector<16x1xi32>
        %gather3A_77 = vector.shape_cast %reshape3A_76 : vector<16x1xi32> to vector<16xi32>
        %gather3A_78 = tpu.dynamic_gather %get3A_19[%gather3A_77] in [0] : vector<16xf32>, vector<16xi32> -> vector<16xf32>
        %get3A_79 = arith.index_cast %scan3A_35 : i32 to index
        %get3A_80 = arith.index_cast %mul3A_58 : i32 to index
        %get3A_81 = tpu.vector_load %arg5[%get3A_79, %get3A_80] {strides = array<i32>} : memref<8x4096xf32, #tpu.memory_space<vmem>>, vector<1x16xf32>,
        %get3A_82 = vector.shape_cast %get3A_81 : vector<1x16xf32> to vector<16xf32>
        %select_n3A_83 = arith.select %eq3A_74, %gather3A_78, %get3A_82 : vector<16xi1>, vector<16xf32>
        %swap3A = arith.index_cast %scan3A_35 : i32 to index
        %swap3A_84 = arith.index_cast %mul3A_58 : i32 to index
        %swap3A_85 = tpu.vector_load %arg5[%swap3A, %swap3A_84] {strides = array<i32>} : memref<8x4096xf32, #tpu.memory_space<vmem>>, vector<1x16xf32>,
        %swap3A_86 = vector.shape_cast %swap3A_85 : vector<1x16xf32> to vector<16xf32>
        %swap3A_87 = vector.shape_cast %select_n3A_83 : vector<16xf32> to vector<1x16xf32>
        tpu.vector_store %arg5[%swap3A, %swap3A_84], %swap3A_87 {strides = array<i32>} : memref<8x4096xf32, #tpu.memory_space<vmem>>, vector<1x16xf32>,
      }
      %scan3A_31 = arith.constant 8 : i32
      %mul3A_32 = arith.constant 8 : i32
      %mul3A_33 = arith.muli %scan3A_9, %mul3A_32 : i32
      %add3A_34 = arith.addi %mul3A_2, %mul3A_33 : i32
      "tpu.region"() ({
        %run_scoped3A = tpu.sem_alloc : memref<!tpu.dma_semaphore, #tpu.memory_space<semaphore_mem>>
        %dma_start3A = arith.constant 0 : i32
        %dma_start3A_35 = tpu.memref_slice %arg4[%add3A_34, %dma_start3A] : memref<4096x4096xf32, #tpu.memory_space<hbm>> -> memref<8x4096xf32, #tpu.memory_space<hbm>>
        %dma_start3A_36 = arith.constant 0 : i32
        %dma_start3A_37 = tpu.memref_slice %arg4[%add3A_34, %dma_start3A_36] : memref<4096x4096xf32, #tpu.memory_space<hbm>> -> memref<8x4096xf32, #tpu.memory_space<hbm>>
        tpu.enqueue_dma source(%arg5 : memref<8x4096xf32, #tpu.memory_space<vmem>>) target(%dma_start3A_37 : memref<8x4096xf32, #tpu.memory_space<hbm>>) target_semaphore(%run_scoped3A : memref<!tpu.dma_semaphore, #tpu.memory_space<semaphore_mem>>)
        %dma_wait3A = arith.constant 0 : i32
        %dma_wait3A_38 = tpu.memref_slice %arg4[%add3A_34, %dma_wait3A] : memref<4096x4096xf32, #tpu.memory_space<hbm>> -> memref<8x4096xf32, #tpu.memory_space<hbm>>
        %dma_wait3A_39 = arith.constant 0 : i32
        %dma_wait3A_40 = tpu.memref_slice %arg4[%add3A_34, %dma_wait3A_39] : memref<4096x4096xf32, #tpu.memory_space<hbm>> -> memref<8x4096xf32, #tpu.memory_space<hbm>>
        tpu.wait_dma2 semaphore(%run_scoped3A : memref<!tpu.dma_semaphore, #tpu.memory_space<semaphore_mem>>) src(%arg5 : memref<8x4096xf32, #tpu.memory_space<vmem>>) dst(%dma_wait3A_40 : memref<8x4096xf32, #tpu.memory_space<hbm>>)
        tpu.yield
      }) : () -> ()
    }
    %scan3A_8 = arith.constant 16 : i32
    return
  }
}

</mosaic_0001>

<sc_bundles>
// kernel: kernel.3.cloned.1.call-start
scs
__scs_entry_jumppad:
0x0: {  	(pc) =	sbr.rel $0x88, $3  }
0x1: {  	(tag) =	ssettag $0x0;
	lr =	simm.s32 $0x1  }
0x2: {  	[smem:$0x3F9F] =	sst lr;
	_ =	strace $0xD0000000  }
0x3: {  	_ = 	snop  }
0x4: {  	_ = 	snop  }
0x5: {  	_ = 	snop  }
0x6: {  	_ = 	snop  }
0x7: {  	_ = 	snop  }
__scs_overlays_trampoline_lowered:
0x8: {  	[smem:$0x3FAE] =	sst s0  }
0x9: {  	[smem:$0x3FAF] =	sst s1  }
0xa: {  	[smem:$0x3FB0] =	sst s2  }
0xb: {  	[smem:$0x3FB1] =	sst s3  }
0xc: {  	[smem:$0x3FB2] =	sst s4  }
0xd: {  	[smem:$0x3FB3] =	sst s5  }
0xe: {  	[smem:$0x3FB4] =	sst s6  }
0xf: {  	[smem:$0x3FB5] =	sst s7  }
0x10: {  	[smem:$0x3FB6] =	sst s8  }
0x11: {  	[smem:$0x3FB7] =	sst s9;
	s0 =	simm.s32 @!p0 $0x0  }
0x12: {  	s1 =	sld [smem:$0x3F9D];
	s0 =	simm.s32 @p0 $0x1  }
0x13: {  	[smem:$0x3FB8] =	sst s0;
	s0 =	simm.s32 @!p1 $0x0  }
0x14: {  	s2 =	sld [smem:$0x3F9C];
	s0 =	simm.s32 @p1 $0x1  }
0x15: {  	[smem:$0x3FB9] =	sst s0;
	s0 =	simm.s32 @!p2 $0x0  }
0x16: {  	s3 =	sld [smem:$0x3FDB];
	s0 =	simm.s32 @p2 $0x1  }
0x17: {  	s4 =	simm.s32 $0x1BF5;
	[smem:$0x3FBB] =	sst s0  }
0x18: {  	s0 =	sld [smem:$0x3F9E];
	_ =	swait.ge [sflag:s4], $0x0  }
0x19: {  	s7 =	sld [smem:$0x3F9F]  }
0x1a: {  	s8 =	sadd.s32 $0xFFFFE003, lr  }
0x1b: {  	s9 =	sadd.s32 $0xFFFFFEF7, lr;
	s5 =	simm.s32 $0xFFFFFFFF;
	p2 =	slt.u32 s8, $0xFFFFF086  }
0x1c: {  	p1 =	slt.u32 s9, $0xF7A;
	s5 =	simm.s32 @!p2 $0x0  }
0x1d: {  	s5 =	simm.s32 @p1 $0x1;
	p0 =	seq.s32 s7, s2  }
0x1e: {  	s7 =	smul.u32 @!p0 $0xF7A, s2;
	p2 =	seq.s32 @!p0 s5, $0x0  }
0x1f: {  	s9 =	smul.u32 $0xF7A, s1;
	s8 =	simm.s32 @!p0 $0x1BF5;
	p2 =	por !p2, p0  }
0x20: {  	[sflag:s8] =	ssyncset.s32 @!p0 $0xFFFFF086;
	s6 =	sadd.s32 @!p0 s3, s7;
	s7 =	simm.s32 @!p0 $0x108  }
0x21: {  	s3 =	sadd.s32 s3, s9;
	s6 =	sadd.s32 @!p0 $0x88, s6;
	s7 =	simm.s32 @p2 $0x1082  }
0x22: {  	[simem:s7], [sflag:s8] =	dma.local @!p0 [hbm:s6], $0xF7A  }
0x23: {  	s9 =	sor.u32 $0xD0000000, s2;
	s6 =	simm.s32 $0x108;
	_ =	swait.ge @!p0 [sflag:s8], $0x0  }
0x24: {  	s3 =	sadd.s32 $0x88, s3;
	s6 =	simm.s32 @!p1 $0x1082;
	[sflag:s4] =	ssyncset.s32 $0xFFFFF086  }
0x25: {  	[simem:s6], [sflag:s4] =	dma.local [hbm:s3], $0xF7A  }
0x26: {  	[smem:$0x3F9F] =	sst s1;
	(tag) =	ssettag s2;
	_ =	strace s9  }
0x27: {  	s1 =	sld [smem:$0x3FAF]  }
0x28: {  	s2 =	sld [smem:$0x3FB0]  }
0x29: {  	s4 =	sld [smem:$0x3FB2]  }
0x2a: {  	p0 =	seq.s32 s5, $0x0;
	s5 =	sld [smem:$0x3FB3]  }
0x2b: {  	s6 =	sld [smem:$0x3FB4]  }
0x2c: {  	s7 =	sld [smem:$0x3FB5]  }
0x2d: {  	s3 =	simm.s32 $0x108;
	s8 =	sld [smem:$0x3FB6]  }
0x2e: {  	s3 =	simm.s32 @!p0 $0x1082;
	s9 =	sld [smem:$0x3FB7]  }
0x2f: {  	lr =	sadd.s32 s0, s3;
	s0 =	sld [smem:$0x3FAE]  }
0x30: {  	s3 =	sld [smem:$0x3FB1]  }
0x31: {  	[smem:$0x3FBA] =	sst s10  }
0x32: {  	s10 =	sld [smem:$0x3FB8];
	_ =	sdelay $0x3  }
0x33: {  	p0 =	seq.s32 s10, $0x1;
	s10 =	sld [smem:$0x3FBA];
	_ =	sdelay $0x3  }
0x34: {  	[smem:$0x3FBA] =	sst s10  }
0x35: {  	s10 =	sld [smem:$0x3FB9];
	_ =	sdelay $0x3  }
0x36: {  	p1 =	seq.s32 s10, $0x1;
	s10 =	sld [smem:$0x3FBA];
	_ =	sdelay $0x3  }
0x37: {  	[smem:$0x3FBA] =	sst s10  }
0x38: {  	s10 =	sld [smem:$0x3FBB]  }
0x39: {  	_ = 	snop;
	(pc) =	sbr.ind lr, $3  }
0x3a: {  	_ = 	snop  }
0x3b: {  	_ = 	snop  }
0x3c: {  	p2 =	seq.s32 s10, $0x1;
	s10 =	sld [smem:$0x3FBA]  }
0x3d: {  	_ =	shalt  }
0x3e: {  	_ =	shalt  }
0x3f: {  	_ =	shalt  }
0x40: {  	_ =	shalt  }
0x41: {  	_ =	shalt  }
0x42: {  	_ =	shalt  }
0x43: {  	_ =	shalt  }
0x44: {  	_ =	shalt  }
0x45: {  	_ =	shalt  }
0x46: {  	_ =	shalt  }
0x47: {  	_ =	shalt  }
0x48: {  	_ =	shalt  }
0x49: {  	_ =	shalt  }
0x4a: {  	_ =	shalt  }
0x4b: {  	_ =	shalt  }
0x4c: {  	_ =	shalt  }
0x4d: {  	_ =	shalt  }
0x4e: {  	_ =	shalt  }
0x4f: {  	_ =	shalt  }
0x50: {  	_ =	shalt  }
0x51: {  	_ =	shalt  }
0x52: {  	_ =	shalt  }
0x53: {  	_ =	shalt  }
0x54: {  	_ =	shalt  }
0x55: {  	_ =	shalt  }
0x56: {  	_ =	shalt  }
0x57: {  	_ =	shalt  }
0x58: {  	_ =	shalt  }
0x59: {  	_ =	shalt  }
0x5a: {  	_ =	shalt  }
0x5b: {  	_ =	shalt  }
0x5c: {  	_ =	shalt  }
0x5d: {  	_ =	shalt  }
0x5e: {  	_ =	shalt  }
0x5f: {  	_ =	shalt  }
0x60: {  	_ =	shalt  }
0x61: {  	_ =	shalt  }
0x62: {  	_ =	shalt  }
0x63: {  	_ =	shalt  }
0x64: {  	_ =	shalt  }
0x65: {  	_ =	shalt  }
0x66: {  	_ =	shalt  }
0x67: {  	_ =	shalt  }
0x68: {  	_ =	shalt  }
0x69: {  	_ =	shalt  }
0x6a: {  	_ =	shalt  }
0x6b: {  	_ =	shalt  }
0x6c: {  	_ =	shalt  }
0x6d: {  	_ =	shalt  }
0x6e: {  	_ =	shalt  }
0x6f: {  	_ =	shalt  }
0x70: {  	_ =	shalt  }
0x71: {  	_ =	shalt  }
0x72: {  	_ =	shalt  }
0x73: {  	_ =	shalt  }
0x74: {  	_ =	shalt  }
0x75: {  	_ =	shalt  }
0x76: {  	_ =	shalt  }
0x77: {  	_ =	shalt  }
0x78: {  	_ =	shalt  }
0x79: {  	_ =	shalt  }
0x7a: {  	_ =	shalt  }
0x7b: {  	_ =	shalt  }
0x7c: {  	_ =	shalt  }
0x7d: {  	_ =	shalt  }
0x7e: {  	_ =	shalt  }
0x7f: {  	_ =	shalt  }
0x80: {  	_ =	shalt  }
0x81: {  	_ =	shalt  }
0x82: {  	_ =	shalt  }
0x83: {  	_ =	shalt  }
0x84: {  	_ =	shalt  }
0x85: {  	_ =	shalt  }
0x86: {  	_ =	shalt  }
0x87: {  	_ =	shalt  }
.Lfunc_end0:
.L_simem_size_0:
called_computation_lowered:
.L_overlay_start_0:
0x88: {  	s2 =	sld [smem:$0x3FD9]  }
0x89: {  	s3 =	sld [smem:$0x3FFE];
	_ =	sdelay $0x1  }
0x8a: {  	s1 =	srdreg.scid  }
0x8b: {  	s0 =	sand.u32 $0x1, s1  }
0x8c: {  	s18 =	sshll.u32 s0, $0xA;
	s2 =	sadd.s32 s3, s2  }
0x8d: {  	s2 =	sadd.s32 s2, s18  }
0x8e: {  	[smem:$0x3FC6] =	sst s2  }
0x8f: {  	_ = 	snop  }
0x90: {  	s2 =	sld [smem:$0x3FC9]  }
0x91: {  	s19 =	sld [smem:$0x3FC8]  }
0x92: {  	s4 =	sld [smem:$0x3FD0];
	(tm) =	ssettm $0x1  }
0x93: {  	s5 =	sld [smem:$0x3FFB];
	_ =	sdelay $0x3  }
0x94: {  	_ =	strace s5  }
0x95: {  	s5 =	sld [smem:$0x3FFC];
	_ =	sdelay $0x3  }
0x96: {  	_ =	strace s5  }
0x97: {  	s5 =	sld [smem:$0x3FFD];
	_ =	sdelay $0x3  }
0x98: {  	_ =	strace s5  }
0x99: {  	_ =	strace $0x8FFFFFFF  }
0x9a: {  	s20 =	sld [smem:$0x3FDB];
	_ =	sdelay $0x1  }
0x9b: {  	s6 =	simm.s32 $_scs_section_size  }
0x9c: {  	s7 =	simm.s32 $_size__tile_overlayer_lowered;
	s8 =	simm.s32 $_tile_overlayer_lowered  }
0x9d: {  	s23 =	simm.s32 $0x1BFF;
	s22 =	sshll.u32 s8, $0x1;
	s5 =	sadd.s32 s6, s20  }
0x9e: {  	s9 =	simm.s32 $0x0;
	s21 =	sshll.u32 s7, $0x1;
	s7 =	sadd.s32 s22, s5  }
0x9f: {  	[timem:s9], [sflag:s23] =	dma.local [hbm:s7], s21  }
0xa0: {  	_ =	swait.ge [sflag:s23], s21  }
0xa1: {  	s6 =	ssub.s32 $0x0, s21;
	[sflag:s23] =	ssyncset.done $0x0  }
0xa2: {  	[sflag:s23] =	ssyncadd.s32 s6;
	_ =	sdelay $0x1  }
0xa3: {  	s24 =	simm.s32 $0x1B8B  }
0xa4: {  	_ =	swait.ge [sflag:s24], $0x1  }
0xa5: {  	[sflag:s24] =	ssyncset.done $0x0  }
0xa6: {  	s25 =	simm.s32 $0x1B8E;
	[sflag:s24] =	ssyncadd.s32 $0xFFFFFFFF  }
0xa7: {  	s26 =	simm.s32 $execute0_lowered;
	[smem:$0x3FD2] =	sst s25  }
0xa8: {  	s6 =	sshll.u32 s26, $0x1;
	_ =	strace $0x80000046;
	[dreg:$0x1] =	wrdreg $0xFFFFFFFF  }
0xa9: {  	s28 =	simm.s32 $_size_execute0_lowered;
	s5 =	sadd.s32 s5, s6;
	[dreg:$0x0] =	wrdreg $0x0  }
0xaa: {  	s6 =	sshll.u32 s28, $0x1;
	[dreg:$0x2] =	wrdreg s5  }
0xab: {  	[dreg:$0x3] =	wrdreg s6  }
0xac: {  	[dreg:$0x4] =	wrdreg $0xC0  }
0xad: {  	_ =	task [dreg:s9], $0x5FFFF  }
0xae: {  	[dreg:$0x1] =	wrdreg $0xFFFFFFFF  }
0xaf: {  	[dreg:$0x0] =	wrdreg $0x60  }
0xb0: {  	[dreg:$0x2] =	wrdreg s2  }
0xb1: {  	[dreg:$0x3] =	wrdreg s19  }
0xb2: {  	[dreg:$0x4] =	wrdreg s4  }
0xb3: {  	[dreg:$0x5] =	wrdreg $0x9  }
0xb4: {  	_ =	task.clear_ibuf [dreg:s9], $0x6FFFF;
	_ =	strace $0x90000046  }
0xb5: {  	s29 =	simm.s32 $0x9;
	_ =	strace $0x80000048  }
0xb6: {  	_ =	swait.ge [sflag:s29], $0x1  }
0xb7: {  	[sflag:s29] =	ssyncadd.s32 $0xFFFFFFFF  }
0xb8: {  	_ =	strace $0x90000048  }
0xb9: {  	_ =	sfence  }
0xba: {  	s30 =	sld [smem:$0x0];
	_ =	sdelay $0x2  }
0xbb: {  	s31 =	sshll.u32 s1, $0xD;
	s1 =	sshrl.u32 s1, $0x2  }
0xbc: {  	s3 =	sand.u32 $0x4000, s31;
	s1 =	sadd.s32 s1, s30  }
0xbd: {  	s0 =	sor.u32 s3, s0;
	s1 =	sshll.u32 s1, $0x11  }
0xbe: {  	s0 =	sor.u32 s1, s0  }
0xbf: {  	s0 =	sadd.s32 $0x8F2B, s0  }
0xc0: {  	[sflag:s0] =	ssyncadd.remote.s32 $0x1  }
0xc1: {  	_ =	sfence.sel $0xFFFF  }
0xc2: {  	[dreg:$0x0] =	wrdreg $0xFFFFFFFF;
	(pc) =	sbr.abs _section_cstart, $3  }
0xc3: {  	[dreg:$0x1] =	wrdreg $0xFFFFFFFF  }
0xc4: {  	_ =	task.clear_ibuf [dreg:s9], $0x2FFFF;
	_ =	strace $0x9FFFFFFF  }
0xc5: {  	(tm) =	ssettm $0x7FFFFFFF  }
tec
execute0_lowered:
.L_overlay_start_1:
0x0: {  	(tag) =	ssettag $0x1  }
0x1: {  	v0 =	vimm.s32 $0xEFCDAB89;
	v1 =	vimm.s32 $0x67452301;
	s0 =	rddreg [dreg:$0x0];
	v2 =	vimm.s32 $0xDCFE98BA  }
0x2: {  	s6 =	rddreg [dreg:$0x1];
	v3 =	vimm.s32 $0x54761032;
	v4 =	vimm.s32 $0xBA98FEDC;
	v5 =	vimm.s32 $0xFEDCBA98  }
0x3: {  	s2 =	rddreg [dreg:$0x2];
	v6 =	vimm.s32 $0x32107654;
	v7 =	vimm.s32 $0x76543210;
	v0 =	vunpack.c.l.s4.s8 v0  }
0x4: {  	s1 =	rddreg [dreg:$0x3];
	s5 =	srdreg.scid;
	v1 =	vunpack.c.l.s4.s8 v1;
	v2 =	vunpack.c.l.s4.s8 v2;
	v3 =	vunpack.c.l.s4.s8 v3  }
0x5: {  	s4 =	simm.s32 $0x0;
	s3 =	stileid.u32;
	s10 =	simm.s32 $0x1;
	v5 =	vunpack.c.l.s4.s8 v5;
	v4 =	vunpack.c.l.s4.s8 v4;
	v6 =	vunpack.c.l.s4.s8 v6  }
0x6: {  	s11 =	simm.s32 $0x0;
	s5 =	sand.u32 $0x1, s5;
	s8 =	sshll.u32 s3, $0x8;
	v7 =	vunpack.c.l.s4.s8 v7;
	v0 =	vunpack.c.0.s8.s32 v0;
	v1 =	vunpack.c.0.s8.s32 v1  }
0x7: {  	[smem:$0x7FF] =	sst s4;
	s7 =	ssub.s32 $0x2, s5;
	s5 =	sshll.u32 s5, $0x7;
	v2 =	vunpack.c.0.s8.s32 v2;
	v3 =	vunpack.c.0.s8.s32 v3;
	v5 =	vunpack.c.0.s8.s32 v5  }
0x8: {  	_ =	strace $0x80000047;
	s9 =	sshrl.u32 s7, $0x1;
	s5 =	sor.u32 s5, s8;
	v4 =	vunpack.c.0.s8.s32 v4;
	v6 =	vunpack.c.0.s8.s32 v6;
	v7 =	vunpack.c.0.s8.s32 v7  }
0x9: {  	s30 =	ssub.s32 s7, s9;
	s31 =	sshrl.u32 s5, $0x3;
	s7 =	sshll.u32 s5, $0x3;
	v0 =	vcombine.low v1, v0;
	v1 =	vcombine.low v3, v2;
	v5 =	vand.u32 $0xF, v5  }
0xa: {  	s9 =	simm.s32 $0x8000;
	s6 =	sadd.s32 s6, s31;
	s8 =	smax.u32 s30, $0x1;
	v2 =	vcombine.low v6, v4;
	v3 =	vlaneseq.u32;
	v4 =	vcombine.low v5, v7  }
.LBB2_1:
0xb: {  	[tilespmem:s9], [sflag:$0x1] =	stream.linear.gather [hbm4b:s6+s4], $0x80, $0x38;
	[tilespmem:$0x8100] =	vst v63  }
0xc: {  	_ =	swait.ge [sflag:s10], $0x80  }
0xd: {  	[sflag:s10] =	ssyncset.done $0x0  }
0xe: {  	s12 =	simm.s32 $0x0;
	[sflag:s10] =	ssyncadd.s32 $0xFFFFFF80  }
.LBB2_2:
0xf: {  	s14 =	sshll.u32 s12, $0x3  }
0x10: {  	s13 =	sor.u32 s5, s14  }
0x11: {  	s13 =	sshll.u32 s13, $0x9  }
0x12: {  	s15 =	simm.s32 $0x0;
	s16 =	sadd.s32 s0, s13  }
0x13: {  	[tilespmem:s15], [sflag:$0x1] =	stream.linear.gather [hbm4b:s16+s15], $0x8000, $0x38;
	[tilespmem:$0x8100] =	vst v63  }
0x14: {  	_ =	swait.ge [sflag:s10], $0x8000  }
0x15: {  	s31 =	sand.u32 $0x70, s14;
	[sflag:s10] =	ssyncset.done $0x0  }
0x16: {  	s17 =	sadd.s32 s31, s7;
	[sflag:s10] =	ssyncadd.s32 $0xFFFF8000  }
0x17: {  	v6 =	vimm.f32 $0.0e+00;
	v7 =	vmov s17;
	s16 =	simm.s32 $0x40;
	v5 =	vld [tilespmem:s14+$0x8000];
	s14 =	sand.u32 $0x8, s14  }
.LBB2_3:
0x18: {  	v10 =	vld [tilespmem:s16+$0x20]  }
0x19: {  	v12 =	vld [tilespmem:s16+$0xFFFFFFC0]  }
0x1a: {  	v13 =	vld [tilespmem:s16+$0xFFFFFFD0]  }
0x1b: {  	v15 =	vld [tilespmem:s16+$0xFFFFFFE0]  }
0x1c: {  	v16 =	vld [tilespmem:s16+$0xFFFFFFF0]  }
0x1d: {  	v17 =	vld [tilespmem:s16+$0x0]  }
0x1e: {  	v18 =	vld [tilespmem:s16+$0x10]  }
0x1f: {  	v19 =	vld [tilespmem:s16+$0x30];
	s19 =	sadd.s32 $0x400, s16  }
0x20: {  	v8 =	vld [tilespmem:s19+$0x20]  }
0x21: {  	v14 =	vld [tilespmem:s19+$0xFFFFFFC0]  }
0x22: {  	v9 =	vld [tilespmem:s19+$0xFFFFFFD0]  }
0x23: {  	v11 =	vld [tilespmem:s19+$0xFFFFFFE0];
	v16 =	vadd.f32 v16, v15;
	v20 =	vadd.f32 v13, v12  }
0x24: {  	v13 =	vld [tilespmem:s19+$0xFFFFFFF0];
	v18 =	vadd.f32 v18, v17;
	v10 =	vadd.f32 v19, v10  }
0x25: {  	v12 =	vld [tilespmem:s19+$0x0]  }
0x26: {  	v15 =	vld [tilespmem:s19+$0x10];
	v17 =	vadd.f32 v16, v20;
	v18 =	vadd.f32 v10, v18  }
0x27: {  	s17 =	sshll.u32 s15, $0x9;
	s18 =	simm.s32 $0x80;
	v16 =	vld [tilespmem:s19+$0x30];
	s19 =	sadd.s32 $0x400, s19;
	v10 =	vimm.f32 $0.0e+00  }
.LBB2_4:
0x28: {  	v19 =	vld [tilespmem:s19+$0x20];
	s18 =	sadd.s32 $0x80, s18;
	v17 =	vadd.f32 v18, v17  }
0x29: {  	v20 =	vld [tilespmem:s19+$0xFFFFFFC0];
	p0 =	slt.u32 s18, $0xF80;
	v18 =	vadd.f32 v13, v11  }
0x2a: {  	v14 =	vadd.f32 v9, v14;
	v9 =	vld [tilespmem:s19+$0xFFFFFFD0];
	v10 =	vadd.f32 v17, v10  }
.Ltmp0:
0x2b: {  	v11 =	vld [tilespmem:s19+$0xFFFFFFE0];
	v21 =	vadd.f32 v15, v12;
	(pc) =	sbr.rel @p0 .LBB2_4-.Ltmp0, $4  }
0x2c: {  	v17 =	vadd.f32 v18, v14;
	v13 =	vld [tilespmem:s19+$0xFFFFFFF0];
	v16 =	vadd.f32 v16, v8  }
0x2d: {  	v12 =	vld [tilespmem:s19+$0x0];
	v8 =	vmov v19  }
0x2e: {  	v15 =	vld [tilespmem:s19+$0x10];
	v18 =	vadd.f32 v16, v21;
	v14 =	vmov v20  }
0x2f: {  	v16 =	vld [tilespmem:s19+$0x30];
	s19 =	sadd.s32 $0x400, s19  }
0x30: {  	_ =	sdelay $0x2  }
0x31: {  	v9 =	vadd.f32 v9, v14;
	v11 =	vadd.f32 v13, v11  }
0x32: {  	v12 =	vadd.f32 v15, v12;
	v8 =	vadd.f32 v16, v8  }
0x33: {  	v59 =	vadd.f32 v18, v17;
	s17 =	sshrl.u32 s17, $0x2  }
0x34: {  	v60 =	vld.idx.msk [tilespmem:v7+s17+$0x0 ss:$0x1], $0xffff;
	v9 =	vadd.f32 v11, v9;
	v8 =	vadd.f32 v8, v12;
	_ =	sdelay $0x1  }
0x35: {  	s31 =	sor.u32 s14, s15;
	v10 =	vadd.f32 v59, v10;
	v8 =	vadd.f32 v8, v9  }
0x36: {  	v61 =	vmov s31  }
0x37: {  	vm0 =	veq.s32 v61, v3;
	v8 =	vadd.f32 v8, v10  }
0x38: {  	v9 =	vnsel vm0, $0x0, v60  }
0x39: {  	v8 =	vsub.f32 v8, v9;
	_ =	sdelay $0x1  }
0x3a: {  	v9 =	vperm.xlane v8, v0;
	_ =	sdelay $0x1  }
0x3b: {  	v8 =	vadd.f32 v8, v9;
	_ =	sdelay $0x1  }
0x3c: {  	v9 =	vperm.xlane v8, v1;
	_ =	sdelay $0x1  }
0x3d: {  	v8 =	vadd.f32 v8, v9;
	_ =	sdelay $0x1  }
0x3e: {  	v9 =	vperm.xlane v8, v2;
	_ =	sdelay $0x1  }
0x3f: {  	v8 =	vadd.f32 v8, v9;
	_ =	sdelay $0x1  }
0x40: {  	v9 =	vperm.xlane v8, v4;
	_ =	sdelay $0x1  }
0x41: {  	v8 =	vadd.f32 v8, v9;
	_ =	sdelay $0x1  }
0x42: {  	v8 =	vadd.f32 $1.000000010e-10, v8;
	_ =	sdelay $0x1  }
0x43: {  	(erf) = vrcp.f32 v8;
	_ =	sdelay $0x5  }
0x44: {  	v8 =	vmov s15;
	s15 =	sadd.s32 $0x1, s15  }
0x45: {  	p0 =	sne.s32 s15, $0x8  }
.Ltmp1:
0x46: {  	v62 =	vperm.xlane v5, v8;
	(pc) =	sbr.rel @p0 .LBB2_3-.Ltmp1, $4  }
0x47: {  	v63 =	vpop (erf)  }
0x48: {  	v9 =	vmul.f32 v63, v62  }
0x49: {  	vm15 =	veq.s32 v8, v3  }
0x4a: {  	s16 =	sadd.s32 $0x80, s16;
	v6 =	vsel vm15, v9, v6  }
0x4b: {  	s15 =	simm.s32 $0x0;
	s16 =	simm.s32 $0x400  }
.LBB2_7:
0x4c: {  	v8 =	vmov s15  }
0x4d: {  	v10 =	vld [tilespmem:s16+$0x70];
	v8 =	vand.u32 $0xF, v8  }
0x4e: {  	v11 =	vld [tilespmem:s16+$0xFFFFFC10];
	v8 =	vbroadcast v8, $0x0  }
0x4f: {  	v12 =	vld [tilespmem:s16+$0xFFFFFC20]  }
0x50: {  	v13 =	vld [tilespmem:s16+$0xFFFFFC30];
	v9 =	vperm.xlane v6, v8  }
0x51: {  	v14 =	vld [tilespmem:s16+$0xFFFFFC40]  }
0x52: {  	v15 =	vld [tilespmem:s16+$0xFFFFFC50];
	v10 =	vmul.f32 v10, v9  }
0x53: {  	v16 =	vld [tilespmem:s16+$0xFFFFFC60];
	v11 =	vmul.f32 v11, v9  }
0x54: {  	v17 =	vld [tilespmem:s16+$0xFFFFFC70];
	v12 =	vmul.f32 v12, v9;
	[tilespmem:s16+$0x70] =	vst v10  }
0x55: {  	[tilespmem:s16+$0xFFFFFC10] =	vst v11;
	v10 =	vmul.f32 v13, v9;
	v13 =	vld [tilespmem:s16+$0x0]  }
0x56: {  	[tilespmem:s16+$0xFFFFFC20] =	vst v12;
	v11 =	vmul.f32 v14, v9;
	v14 =	vld [tilespmem:s16+$0x10]  }
0x57: {  	v18 =	vld [tilespmem:s16+$0x20];
	v12 =	vmul.f32 v15, v9;
	[tilespmem:s16+$0xFFFFFC30] =	vst v10  }
0x58: {  	v15 =	vmul.f32 v16, v9;
	[tilespmem:s16+$0xFFFFFC40] =	vst v11;
	v10 =	vld [tilespmem:s16+$0x30]  }
0x59: {  	v16 =	vmul.f32 v17, v9;
	[tilespmem:s16+$0xFFFFFC50] =	vst v12;
	v11 =	vld [tilespmem:s16+$0x40]  }
0x5a: {  	[tilespmem:s16+$0xFFFFFC60] =	vst v15;
	v12 =	vld [tilespmem:s16+$0x50];
	v17 =	vmul.f32 v13, v9  }
0x5b: {  	[tilespmem:s16+$0xFFFFFC70] =	vst v16;
	v13 =	vld [tilespmem:s16+$0x60];
	v15 =	vmul.f32 v14, v9  }
0x5c: {  	s18 =	simm.s32 $0x0;
	s19 =	sadd.s32 $0x800, s16;
	s17 =	smov.u32 s16;
	v16 =	vmul.f32 v18, v9;
	v14 =	vld [tilespmem:s16+$0xFFFFFC00];
	[tilespmem:s16+$0x0] =	vst v17  }
.LBB2_8:
0x5d: {  	v17 =	vld [tilespmem:s19+$0x70];
	s18 =	sadd.s32 $0x100, s18;
	[tilespmem:s17+$0x10] =	vst v15;
	v10 =	vmul.f32 v10, v9  }
0x5e: {  	v15 =	vld [tilespmem:s19+$0xFFFFFC10];
	p0 =	slt.u32 s18, $0xF00;
	[tilespmem:s17+$0x20] =	vst v16;
	v11 =	vmul.f32 v11, v9  }
0x5f: {  	v16 =	vld [tilespmem:s19+$0xFFFFFC20];
	[tilespmem:s17+$0x30] =	vst v10;
	v10 =	vmul.f32 v12, v9  }
0x60: {  	v12 =	vld [tilespmem:s19+$0xFFFFFC30];
	[tilespmem:s17+$0x40] =	vst v11;
	v11 =	vmul.f32 v13, v9  }
0x61: {  	v13 =	vld [tilespmem:s19+$0xFFFFFC40];
	v14 =	vmul.f32 v14, v9;
	[tilespmem:s17+$0x50] =	vst v10  }
0x62: {  	v10 =	vld [tilespmem:s19+$0xFFFFFC50];
	v17 =	vmul.f32 v17, v9;
	[tilespmem:s17+$0x60] =	vst v11  }
0x63: {  	v11 =	vmul.f32 v15, v9;
	v15 =	vld [tilespmem:s19+$0xFFFFFC60];
	[tilespmem:s17+$0xFFFFFC00] =	vst v14;
	s17 =	smov.u32 s19  }
0x64: {  	v14 =	vmul.f32 v16, v9;
	v16 =	vld [tilespmem:s19+$0xFFFFFC70];
	[tilespmem:s19+$0x70] =	vst v17  }
0x65: {  	[tilespmem:s19+$0xFFFFFC10] =	vst v11;
	v11 =	vmul.f32 v12, v9;
	v12 =	vld [tilespmem:s19+$0x0]  }
0x66: {  	[tilespmem:s19+$0xFFFFFC20] =	vst v14;
	v13 =	vmul.f32 v13, v9;
	v14 =	vld [tilespmem:s19+$0x10]  }
0x67: {  	[tilespmem:s19+$0xFFFFFC30] =	vst v11;
	v11 =	vmul.f32 v10, v9;
	v17 =	vld [tilespmem:s19+$0x20]  }
.Ltmp2:
0x68: {  	[tilespmem:s19+$0xFFFFFC40] =	vst v13;
	v13 =	vmul.f32 v15, v9;
	v10 =	vld [tilespmem:s19+$0x30];
	(pc) =	sbr.rel @p0 .LBB2_8-.Ltmp2, $4  }
0x69: {  	[tilespmem:s19+$0xFFFFFC50] =	vst v11;
	v15 =	vmul.f32 v16, v9;
	v11 =	vld [tilespmem:s19+$0x40]  }
0x6a: {  	[tilespmem:s19+$0xFFFFFC60] =	vst v13;
	v16 =	vmul.f32 v12, v9;
	v12 =	vld [tilespmem:s19+$0x50]  }
0x6b: {  	[tilespmem:s19+$0xFFFFFC70] =	vst v15;
	v15 =	vmul.f32 v14, v9;
	v13 =	vld [tilespmem:s19+$0x60]  }
0x6c: {  	s19 =	sadd.s32 $0x800, s19;
	v14 =	vld [tilespmem:s17+$0xFFFFFC00];
	[tilespmem:s17+$0x0] =	vst v16;
	v16 =	vmul.f32 v17, v9  }
0x6d: {  	[tilespmem:s17+$0x10] =	vst v15;
	v10 =	vmul.f32 v10, v9  }
0x6e: {  	[tilespmem:s17+$0x20] =	vst v16;
	v11 =	vmul.f32 v11, v9  }
0x6f: {  	[tilespmem:s17+$0x30] =	vst v10;
	v60 =	vmul.f32 v12, v9  }
0x70: {  	[tilespmem:s17+$0x40] =	vst v11;
	v61 =	vmul.f32 v13, v9  }
0x71: {  	v62 =	vmul.f32 v14, v9;
	[tilespmem:s17+$0x50] =	vst v60  }
0x72: {  	s18 =	sshll.u32 s15, $0x7;
	[tilespmem:s17+$0x60] =	vst v61  }
0x73: {  	s30 =	sand.u32 $0x3FFFFF80, s18;
	[tilespmem:s17+$0xFFFFFC00] =	vst v62  }
0x74: {  	s31 =	sor.u32 s14, s15;
	s15 =	sadd.s32 $0x1, s15;
	v9 =	vld.idx.msk [tilespmem:v7+s30+$0x0 ss:$0x1], $0xffff  }
0x75: {  	p0 =	sne.s32 s15, $0x8  }
.Ltmp3:
0x76: {  	_ = 	snop;
	(pc) =	sbr.rel @p0 .LBB2_7-.Ltmp3, $4  }
0x77: {  	v8 =	vperm.xlane v5, v8;
	v63 =	vmov s31  }
0x78: {  	vm0 =	veq.s32 v63, v3  }
0x79: {  	v8 =	vsel vm0, v8, v9  }
0x7a: {  	s16 =	sadd.s32 $0x80, s16;
	[tilespmem:v7+s30+$0x0 ss:$0x1] =	vst.idx.msk $0xffff, v8  }
0x7b: {  	s12 =	sadd.s32 $0x1, s12  }
0x7c: {  	p0 =	sne.s32 s12, $0x10  }
.Ltmp4:
0x7d: {  	s13 =	sadd.s32 s2, s13;
	(pc) =	sbr.rel @p0 .LBB2_2-.Ltmp4, $4  }
0x7e: {  	[hbm4b:s13+s4] =	stream.linear.scatter [tilespmem:s4], [sflag:$0x1], $0x8000, $0x38;
	[tilespmem:$0x8100] =	vst v63  }
0x7f: {  	_ =	swait.ge [sflag:s10], $0x8000  }
0x80: {  	[sflag:s10] =	ssyncset.done $0x0  }
0x81: {  	[sflag:s10] =	ssyncadd.s32 $0xFFFF8000  }
0x82: {  	s11 =	sadd.s32 $0x1, s11  }
0x83: {  	p0 =	sne.s32 s11, s8  }
.Ltmp5:
0x84: {  	_ = 	snop;
	(pc) =	sbr.rel @p0 .LBB2_1-.Ltmp5, $1  }
0x85: {  	_ =	sdelay $0x3  }
0x86: {  	_ =	sfence.sel $0x180000  }
0x87: {  	[bflag:$0x0] =	sbarrier.arrive $0xFFFF  }
0x88: {  	p0 =	sne.s32 s3, $0x0;
	_ =	strace $0x90000047  }
0x89: {  	s0 =	sadd.s32 @!p0 $0x100000, s1;
	[bflag:$0x2] =	sbarrier.arrive $0xFFFF  }
0x8a: {  	[sflag:s0] =	ssyncadd.tile.s32 @!p0 $0x1;
	_ =	shalt  }
.Lfunc_end2:
_tile_overlayer_lowered:
.L_overlay_start_2:
0x8b: {  	(tag) =	ssettag $0x2  }
0x8c: {  	s0 =	rddreg [dreg:$0x0];
	s2 =	stileid.u32  }
0x8d: {  	s1 =	rddreg [dreg:$0x1];
	p0 =	sne.s32 s2, $0x0  }
0x8e: {  	s3 =	rddreg [dreg:$0x2];
	[bflag:$0x3] =	sbarrier.arrive $0xFFFF;
	s2 =	simm.s32 @!p0 $0x1C01  }
0x8f: {  	[timem:s3], [sflag:s2] =	dma.local @!p0 [hbm:s0], s1  }
0x90: {  	s0 =	simm.s32 @!p0 $0x1  }
0x91: {  	_ =	swait.ge @!p0 [sflag:s0], s1  }
0x92: {  	s1 =	ssub.s32 @!p0 $0x0, s1;
	[sflag:s0] =	ssyncset.done @!p0 $0x0  }
0x93: {  	[sflag:s0] =	ssyncadd.s32 @!p0 s1  }
0x94: {  	[bflag:$0x3] =	sbarrier.arrive $0xFFFF  }
0x95: {  	_ =	shalt  }

</sc_bundles>
